<compile_context>
chip_gen: v7x
topology: tpu7x:2x2x1
jax: 0.10.2.dev20260603
libtpu: 0.0.44.dev20260713+nightly
codegen_flags: <defaults>
</compile_context>

<pallas_src>
import jax
import jax.numpy as jnp
from jax import lax
from jax.experimental import pallas as pl
from jax.experimental.pallas import tpu as pltpu
from jax.experimental.pallas import tpu_sc as plsc

EMBED_DIM = 64
BATCH = 16384
N_FIELDS = 26
NUM_FEAT = 1000000

NUM_CORES = 2
NUM_SUBCORES = 16
NUM_WORKERS = NUM_CORES * NUM_SUBCORES

FB = 512
N_BANDS = (NUM_FEAT + FB - 1) // FB

CB = 128
N_BLOCKS = N_FIELDS * (BATCH // CB)
BLOCKS_PER_WORKER = N_BLOCKS // NUM_WORKERS
B_ROUNDS = BLOCKS_PER_WORKER // 4
TCOLS = BATCH // CB


def _gather_body(wo_hbm, idx_hbm, out_hbm,
                 idx_all, rows0, rows1, rows2, rows3,
                 g0, g1, g2, g3, s0, s1, s2, s3):
    wid = lax.axis_index("s") * NUM_CORES + lax.axis_index("c")

    pltpu.sync_copy(idx_hbm.at[pl.ds(wid * BLOCKS_PER_WORKER,
                                     BLOCKS_PER_WORKER), :], idx_all)

    rows = (rows0, rows1, rows2, rows3)
    gsem = (g0, g1, g2, g3)
    ssem = (s0, s1, s2, s3)

    def round_step(t, carry):
        gathers = []
        for i in range(4):
            ti = 4 * t + i
            gathers.append(pltpu.async_copy(
                wo_hbm.at[idx_all.at[ti]], rows[i], gsem[i]))
        stores = []
        for i in range(4):
            ki = wid * BLOCKS_PER_WORKER + 4 * t + i
            fi = ki // TCOLS
            tci = ki % TCOLS
            gathers[i].wait()
            stores.append(pltpu.async_copy(
                rows[i],
                out_hbm.at[pl.ds(tci * CB, CB), fi, pl.ds(0, EMBED_DIM)],
                ssem[i]))
        for w in stores:
            w.wait()
        return carry

    lax.fori_loop(0, B_ROUNDS, round_step, 0)


def kernel(input_indices, W):
    idx2d = input_indices.T.astype(jnp.int32).reshape(N_BLOCKS, CB)
    mesh = plsc.VectorSubcoreMesh(core_axis_name="c", subcore_axis_name="s")

    out4 = pl.kernel(
        _gather_body,
        out_type=jax.ShapeDtypeStruct((BATCH, 32, 2 * EMBED_DIM),
                                      jnp.float32),
        mesh=mesh,
        scratch_types=[
            pltpu.VMEM((BLOCKS_PER_WORKER, CB), jnp.int32),
            pltpu.VMEM((CB, EMBED_DIM), jnp.float32),
            pltpu.VMEM((CB, EMBED_DIM), jnp.float32),
            pltpu.VMEM((CB, EMBED_DIM), jnp.float32),
            pltpu.VMEM((CB, EMBED_DIM), jnp.float32),
            pltpu.SemaphoreType.DMA,
            pltpu.SemaphoreType.DMA,
            pltpu.SemaphoreType.DMA,
            pltpu.SemaphoreType.DMA,
            pltpu.SemaphoreType.DMA,
            pltpu.SemaphoreType.DMA,
            pltpu.SemaphoreType.DMA,
            pltpu.SemaphoreType.DMA,
        ],
        compiler_params=pltpu.CompilerParams(use_tc_tiling_on_sc=False),
    )(W, idx2d)

    return out4[:, :N_FIELDS, :EMBED_DIM]

# --- scband reference (transcript-rebuilt; emitter-appended) ---
"""Pipeline reference for scband-embedding-dlrm-87711822119240 (READ-ONLY COPY).

The authoritative reference and input builder live on the scoring server;
editing this copy changes nothing except your own understanding.
"""

import jax, jax.numpy as jnp
import numpy as np

NUM_FEATURES = 1000000
EMBED_DIM = 64
BATCH = 16384
N_FIELDS = 26


def setup_inputs(seed: int = 0) -> dict:
    key = jax.random.key(seed)
    k_idx, k_w = jax.random.split(key)
    input_indices = jax.random.randint(k_idx, (BATCH, N_FIELDS), 0, NUM_FEATURES, dtype=jnp.int64 if jax.config.jax_enable_x64 else jnp.int32)
    bound = np.sqrt(1.0 / float(NUM_FEATURES))
    W = jax.random.uniform(k_w, (NUM_FEATURES, EMBED_DIM), dtype=jnp.float32, minval=-bound, maxval=bound)
    return {"input_indices": input_indices, "W": W}


def reference(input_indices, W):
    # nn.Embedding lookup: gather rows of W by index
    return jnp.take(W, input_indices, axis=0)

if __name__ == "__main__":
    import jax
    _d = setup_inputs()
    print(jax.jit(kernel)(*tuple(_d.values())))

</pallas_src>

<mosaic_0001>
#map = affine_map<(d0, d1) -> (0, 0)>
#map1 = affine_map<(d0, d1) -> (0, 0, 0)>
module attributes {stable_mosaic.version = 14 : i64} {
  func.func @_gather_body(%arg0: i32, %arg1: i32, %arg2: memref<1000000x64xf32, #tpu.memory_space<hbm>>, %arg3: memref<3328x128xi32, #tpu.memory_space<hbm>>, %arg4: memref<16384x32x128xf32, #tpu.memory_space<hbm>>, %arg5: memref<104x128xi32, #tpu.memory_space<vmem>>, %arg6: memref<128x64xf32, #tpu.memory_space<vmem>>, %arg7: memref<128x64xf32, #tpu.memory_space<vmem>>, %arg8: memref<128x64xf32, #tpu.memory_space<vmem>>, %arg9: memref<128x64xf32, #tpu.memory_space<vmem>>, %arg10: memref<!tpu.dma_semaphore, #tpu.memory_space<semaphore_mem>>, %arg11: memref<!tpu.dma_semaphore, #tpu.memory_space<semaphore_mem>>, %arg12: memref<!tpu.dma_semaphore, #tpu.memory_space<semaphore_mem>>, %arg13: memref<!tpu.dma_semaphore, #tpu.memory_space<semaphore_mem>>, %arg14: memref<!tpu.dma_semaphore, #tpu.memory_space<semaphore_mem>>, %arg15: memref<!tpu.dma_semaphore, #tpu.memory_space<semaphore_mem>>, %arg16: memref<!tpu.dma_semaphore, #tpu.memory_space<semaphore_mem>>, %arg17: memref<!tpu.dma_semaphore, #tpu.memory_space<semaphore_mem>>) attributes {dimension_semantics = [#tpu.dimension_semantics<core_parallel>, #tpu.dimension_semantics<subcore_parallel>], iteration_bounds = array<i64: 2, 16>, scalar_prefetch = 0 : i64, scratch_operands = 13 : i64, tpu.core_type = #tpu.core_type<sc_vector_subcore>, window_params = [{transform_indices = #map}, {transform_indices = #map}, {transform_indices = #map1}]} {
    %mul3A = arith.constant 2 : i32
    %mul3A_0 = arith.muli %arg1, %mul3A : i32
    %add3A = arith.addi %mul3A_0, %arg0 : i32
    %mul3A_1 = arith.constant 104 : i32
    %mul3A_2 = arith.muli %add3A, %mul3A_1 : i32
    "tpu.region"() ({
      %run_scoped3A = tpu.sem_alloc : memref<!tpu.dma_semaphore, #tpu.memory_space<semaphore_mem>>
      %dma_start3A = arith.constant 0 : i32
      %dma_start3A_8 = tpu.memref_slice %arg3[%mul3A_2, %dma_start3A] : memref<3328x128xi32, #tpu.memory_space<hbm>> -> memref<104x128xi32, #tpu.memory_space<hbm>>
      %dma_start3A_9 = arith.constant 0 : i32
      %dma_start3A_10 = tpu.memref_slice %arg3[%mul3A_2, %dma_start3A_9] : memref<3328x128xi32, #tpu.memory_space<hbm>> -> memref<104x128xi32, #tpu.memory_space<hbm>>
      tpu.enqueue_dma source(%dma_start3A_10 : memref<104x128xi32, #tpu.memory_space<hbm>>) target(%arg5 : memref<104x128xi32, #tpu.memory_space<vmem>>) target_semaphore(%run_scoped3A : memref<!tpu.dma_semaphore, #tpu.memory_space<semaphore_mem>>)
      %dma_wait3A = arith.constant 0 : i32
      %dma_wait3A_11 = tpu.memref_slice %arg3[%mul3A_2, %dma_wait3A] : memref<3328x128xi32, #tpu.memory_space<hbm>> -> memref<104x128xi32, #tpu.memory_space<hbm>>
      %dma_wait3A_12 = arith.constant 0 : i32
      %dma_wait3A_13 = tpu.memref_slice %arg3[%mul3A_2, %dma_wait3A_12] : memref<3328x128xi32, #tpu.memory_space<hbm>> -> memref<104x128xi32, #tpu.memory_space<hbm>>
      tpu.wait_dma2 semaphore(%run_scoped3A : memref<!tpu.dma_semaphore, #tpu.memory_space<semaphore_mem>>) src(%dma_wait3A_13 : memref<104x128xi32, #tpu.memory_space<hbm>>) dst(%arg5 : memref<104x128xi32, #tpu.memory_space<vmem>>)
      tpu.yield
    }) : () -> ()
    %scan3A = arith.constant 0 : i32
    %scan3A_3 = arith.constant 0 : i32
    %scan3A_4 = arith.constant 26 : i32
    %scan3A_5 = arith.addi %scan3A_3, %scan3A_4 : i32
    %scan3A_6 = arith.constant 1 : i32
    scf.for %scan3A_8 = %scan3A_3 to %scan3A_5 step %scan3A_6  : i32 {
      %mul3A_9 = arith.constant 4 : i32
      %mul3A_10 = arith.muli %mul3A_9, %scan3A_8 : i32
      %add3A_11 = arith.constant 0 : i32
      %add3A_12 = arith.addi %mul3A_10, %add3A_11 : i32
      %dma_start3A = arith.constant 0 : i32
      %dma_start3A_13 = tpu.memref_slice %arg5[%add3A_12, %dma_start3A] : memref<104x128xi32, #tpu.memory_space<vmem>> -> memref<1x128xi32, #tpu.memory_space<vmem>>
      %dma_start3A_14 = tpu.memref_squeeze %dma_start3A_13 : memref<1x128xi32, #tpu.memory_space<vmem>> -> memref<128xi32, #tpu.memory_space<vmem>>
      %dma_start3A_15 = arith.constant 0 : i32
      %dma_start3A_16 = arith.constant 0 : i32
      %dma_start3A_17 = tpu.memref_slice %arg2[%dma_start3A_15, %dma_start3A_16] : memref<1000000x64xf32, #tpu.memory_space<hbm>> -> memref<1000000x64xf32, #tpu.memory_space<hbm>>
      tpu.enqueue_indirect_dma source(%dma_start3A_17 : memref<1000000x64xf32, #tpu.memory_space<hbm>>) target(%arg6 : memref<128x64xf32, #tpu.memory_space<vmem>>) offsets(%dma_start3A_14 : memref<128xi32, #tpu.memory_space<vmem>>) semaphore(%arg10 : memref<!tpu.dma_semaphore, #tpu.memory_space<semaphore_mem>>)
      %mul3A_18 = arith.constant 4 : i32
      %mul3A_19 = arith.muli %mul3A_18, %scan3A_8 : i32
      %add3A_20 = arith.constant 1 : i32
      %add3A_21 = arith.addi %mul3A_19, %add3A_20 : i32
      %dma_start3A_22 = arith.constant 0 : i32
      %dma_start3A_23 = tpu.memref_slice %arg5[%add3A_21, %dma_start3A_22] : memref<104x128xi32, #tpu.memory_space<vmem>> -> memref<1x128xi32, #tpu.memory_space<vmem>>
      %dma_start3A_24 = tpu.memref_squeeze %dma_start3A_23 : memref<1x128xi32, #tpu.memory_space<vmem>> -> memref<128xi32, #tpu.memory_space<vmem>>
      %dma_start3A_25 = arith.constant 0 : i32
      %dma_start3A_26 = arith.constant 0 : i32
      %dma_start3A_27 = tpu.memref_slice %arg2[%dma_start3A_25, %dma_start3A_26] : memref<1000000x64xf32, #tpu.memory_space<hbm>> -> memref<1000000x64xf32, #tpu.memory_space<hbm>>
      tpu.enqueue_indirect_dma source(%dma_start3A_27 : memref<1000000x64xf32, #tpu.memory_space<hbm>>) target(%arg7 : memref<128x64xf32, #tpu.memory_space<vmem>>) offsets(%dma_start3A_24 : memref<128xi32, #tpu.memory_space<vmem>>) semaphore(%arg11 : memref<!tpu.dma_semaphore, #tpu.memory_space<semaphore_mem>>)
      %mul3A_28 = arith.constant 4 : i32
      %mul3A_29 = arith.muli %mul3A_28, %scan3A_8 : i32
      %add3A_30 = arith.constant 2 : i32
      %add3A_31 = arith.addi %mul3A_29, %add3A_30 : i32
      %dma_start3A_32 = arith.constant 0 : i32
      %dma_start3A_33 = tpu.memref_slice %arg5[%add3A_31, %dma_start3A_32] : memref<104x128xi32, #tpu.memory_space<vmem>> -> memref<1x128xi32, #tpu.memory_space<vmem>>
      %dma_start3A_34 = tpu.memref_squeeze %dma_start3A_33 : memref<1x128xi32, #tpu.memory_space<vmem>> -> memref<128xi32, #tpu.memory_space<vmem>>
      %dma_start3A_35 = arith.constant 0 : i32
      %dma_start3A_36 = arith.constant 0 : i32
      %dma_start3A_37 = tpu.memref_slice %arg2[%dma_start3A_35, %dma_start3A_36] : memref<1000000x64xf32, #tpu.memory_space<hbm>> -> memref<1000000x64xf32, #tpu.memory_space<hbm>>
      tpu.enqueue_indirect_dma source(%dma_start3A_37 : memref<1000000x64xf32, #tpu.memory_space<hbm>>) target(%arg8 : memref<128x64xf32, #tpu.memory_space<vmem>>) offsets(%dma_start3A_34 : memref<128xi32, #tpu.memory_space<vmem>>) semaphore(%arg12 : memref<!tpu.dma_semaphore, #tpu.memory_space<semaphore_mem>>)
      %mul3A_38 = arith.constant 4 : i32
      %mul3A_39 = arith.muli %mul3A_38, %scan3A_8 : i32
      %add3A_40 = arith.constant 3 : i32
      %add3A_41 = arith.addi %mul3A_39, %add3A_40 : i32
      %dma_start3A_42 = arith.constant 0 : i32
      %dma_start3A_43 = tpu.memref_slice %arg5[%add3A_41, %dma_start3A_42] : memref<104x128xi32, #tpu.memory_space<vmem>> -> memref<1x128xi32, #tpu.memory_space<vmem>>
      %dma_start3A_44 = tpu.memref_squeeze %dma_start3A_43 : memref<1x128xi32, #tpu.memory_space<vmem>> -> memref<128xi32, #tpu.memory_space<vmem>>
      %dma_start3A_45 = arith.constant 0 : i32
      %dma_start3A_46 = arith.constant 0 : i32
      %dma_start3A_47 = tpu.memref_slice %arg2[%dma_start3A_45, %dma_start3A_46] : memref<1000000x64xf32, #tpu.memory_space<hbm>> -> memref<1000000x64xf32, #tpu.memory_space<hbm>>
      tpu.enqueue_indirect_dma source(%dma_start3A_47 : memref<1000000x64xf32, #tpu.memory_space<hbm>>) target(%arg9 : memref<128x64xf32, #tpu.memory_space<vmem>>) offsets(%dma_start3A_44 : memref<128xi32, #tpu.memory_space<vmem>>) semaphore(%arg13 : memref<!tpu.dma_semaphore, #tpu.memory_space<semaphore_mem>>)
      %mul3A_48 = arith.constant 104 : i32
      %mul3A_49 = arith.muli %add3A, %mul3A_48 : i32
      %mul3A_50 = arith.constant 4 : i32
      %mul3A_51 = arith.muli %mul3A_50, %scan3A_8 : i32
      %add3A_52 = arith.addi %mul3A_49, %mul3A_51 : i32
      %add3A_53 = arith.constant 0 : i32
      %add3A_54 = arith.addi %add3A_52, %add3A_53 : i32
      %jit3A = arith.constant 128 : i32
      %div3A = arith.divsi %add3A_54, %jit3A : i32
      %sign3A = arith.constant 0 : i32
      %sign3A_55 = arith.cmpi sgt, %add3A_54, %sign3A : i32
      %sign3A_56 = arith.extui %sign3A_55 : i1 to i32
      %sign3A_57 = arith.constant 0 : i32
      %sign3A_58 = arith.cmpi slt, %add3A_54, %sign3A_57 : i32
      %sign3A_59 = arith.extui %sign3A_58 : i1 to i32
      %sign3A_60 = arith.subi %sign3A_56, %sign3A_59 : i32
      %sign3A_61 = arith.constant 0 : i32
      %sign3A_62 = arith.cmpi sgt, %jit3A, %sign3A_61 : i32
      %sign3A_63 = arith.extui %sign3A_62 : i1 to i32
      %sign3A_64 = arith.constant 0 : i32
      %sign3A_65 = arith.cmpi slt, %jit3A, %sign3A_64 : i32
      %sign3A_66 = arith.extui %sign3A_65 : i1 to i32
      %sign3A_67 = arith.subi %sign3A_63, %sign3A_66 : i32
      %ne3A = arith.cmpi ne, %sign3A_60, %sign3A_67 : i32
      %rem3A = arith.remsi %add3A_54, %jit3A : i32
      %ne3A_68 = arith.constant 0 : i32
      %ne3A_69 = arith.cmpi ne, %rem3A, %ne3A_68 : i32
      %and3A = arith.andi %ne3A, %ne3A_69 : i1
      %sub3A = arith.constant 1 : i32
      %sub3A_70 = arith.subi %div3A, %sub3A : i32
      %select_n3A = arith.select %and3A, %sub3A_70, %div3A : i32
      %jit3A_71 = arith.constant 128 : i32
      %eq3A = arith.constant 0 : i32
      %eq3A_72 = arith.cmpi eq, %jit3A_71, %eq3A : i32
      %jit3A_73 = arith.constant 1 : i32
      %select_n3A_74 = arith.select %eq3A_72, %jit3A_73, %jit3A_71 : i32
      %rem3A_75 = arith.remsi %add3A_54, %select_n3A_74 : i32
      %ne3A_76 = arith.constant 0 : i32
      %ne3A_77 = arith.cmpi ne, %rem3A_75, %ne3A_76 : i32
      %lt3A = arith.constant 0 : i32
      %lt3A_78 = arith.cmpi slt, %rem3A_75, %lt3A : i32
      %lt3A_79 = arith.constant 0 : i32
      %lt3A_80 = arith.cmpi slt, %select_n3A_74, %lt3A_79 : i32
      %ne3A_81 = arith.xori %lt3A_78, %lt3A_80 : i1
      %and3A_82 = arith.andi %ne3A_81, %ne3A_77 : i1
      %add3A_83 = arith.addi %rem3A_75, %select_n3A_74 : i32
      %select_n3A_84 = arith.select %and3A_82, %add3A_83, %rem3A_75 : i32
      %dma_wait3A = arith.constant 0 : i32
      %dma_wait3A_85 = tpu.memref_slice %arg5[%add3A_12, %dma_wait3A] : memref<104x128xi32, #tpu.memory_space<vmem>> -> memref<1x128xi32, #tpu.memory_space<vmem>>
      %dma_wait3A_86 = tpu.memref_squeeze %dma_wait3A_85 : memref<1x128xi32, #tpu.memory_space<vmem>> -> memref<128xi32, #tpu.memory_space<vmem>>
      %dma_wait3A_87 = arith.constant 0 : i32
      %dma_wait3A_88 = arith.constant 0 : i32
      %dma_wait3A_89 = tpu.memref_slice %arg2[%dma_wait3A_87, %dma_wait3A_88] : memref<1000000x64xf32, #tpu.memory_space<hbm>> -> memref<1000000x64xf32, #tpu.memory_space<hbm>>
      tpu.wait_indirect_dma semaphore(%arg10 : memref<!tpu.dma_semaphore, #tpu.memory_space<semaphore_mem>>) src(%dma_wait3A_89 : memref<1000000x64xf32, #tpu.memory_space<hbm>>) dst(%arg6 : memref<128x64xf32, #tpu.memory_space<vmem>>)
      %mul3A_90 = arith.constant 128 : i32
      %mul3A_91 = arith.muli %select_n3A_84, %mul3A_90 : i32
      %dma_start3A_92 = arith.constant 0 : i32
      %dma_start3A_93 = tpu.memref_slice %arg4[%mul3A_91, %select_n3A, %dma_start3A_92] : memref<16384x32x128xf32, #tpu.memory_space<hbm>> -> memref<128x1x64xf32, #tpu.memory_space<hbm>>
      %dma_start3A_94 = tpu.memref_squeeze %dma_start3A_93 : memref<128x1x64xf32, #tpu.memory_space<hbm>> -> memref<128x64xf32, #tpu.memory_space<hbm>>
      %dma_start3A_95 = arith.constant 0 : i32
      %dma_start3A_96 = tpu.memref_slice %arg4[%mul3A_91, %select_n3A, %dma_start3A_95] : memref<16384x32x128xf32, #tpu.memory_space<hbm>> -> memref<128x1x64xf32, #tpu.memory_space<hbm>>
      %dma_start3A_97 = tpu.memref_squeeze %dma_start3A_96 : memref<128x1x64xf32, #tpu.memory_space<hbm>> -> memref<128x64xf32, #tpu.memory_space<hbm>>
      tpu.enqueue_dma source(%arg6 : memref<128x64xf32, #tpu.memory_space<vmem>>) target(%dma_start3A_97 : memref<128x64xf32, #tpu.memory_space<hbm>>) target_semaphore(%arg14 : memref<!tpu.dma_semaphore, #tpu.memory_space<semaphore_mem>>)
      %mul3A_98 = arith.constant 104 : i32
      %mul3A_99 = arith.muli %add3A, %mul3A_98 : i32
      %mul3A_100 = arith.constant 4 : i32
      %mul3A_101 = arith.muli %mul3A_100, %scan3A_8 : i32
      %add3A_102 = arith.addi %mul3A_99, %mul3A_101 : i32
      %add3A_103 = arith.constant 1 : i32
      %add3A_104 = arith.addi %add3A_102, %add3A_103 : i32
      %jit3A_105 = arith.constant 128 : i32
      %div3A_106 = arith.divsi %add3A_104, %jit3A_105 : i32
      %sign3A_107 = arith.constant 0 : i32
      %sign3A_108 = arith.cmpi sgt, %add3A_104, %sign3A_107 : i32
      %sign3A_109 = arith.extui %sign3A_108 : i1 to i32
      %sign3A_110 = arith.constant 0 : i32
      %sign3A_111 = arith.cmpi slt, %add3A_104, %sign3A_110 : i32
      %sign3A_112 = arith.extui %sign3A_111 : i1 to i32
      %sign3A_113 = arith.subi %sign3A_109, %sign3A_112 : i32
      %sign3A_114 = arith.constant 0 : i32
      %sign3A_115 = arith.cmpi sgt, %jit3A_105, %sign3A_114 : i32
      %sign3A_116 = arith.extui %sign3A_115 : i1 to i32
      %sign3A_117 = arith.constant 0 : i32
      %sign3A_118 = arith.cmpi slt, %jit3A_105, %sign3A_117 : i32
      %sign3A_119 = arith.extui %sign3A_118 : i1 to i32
      %sign3A_120 = arith.subi %sign3A_116, %sign3A_119 : i32
      %ne3A_121 = arith.cmpi ne, %sign3A_113, %sign3A_120 : i32
      %rem3A_122 = arith.remsi %add3A_104, %jit3A_105 : i32
      %ne3A_123 = arith.constant 0 : i32
      %ne3A_124 = arith.cmpi ne, %rem3A_122, %ne3A_123 : i32
      %and3A_125 = arith.andi %ne3A_121, %ne3A_124 : i1
      %sub3A_126 = arith.constant 1 : i32
      %sub3A_127 = arith.subi %div3A_106, %sub3A_126 : i32
      %select_n3A_128 = arith.select %and3A_125, %sub3A_127, %div3A_106 : i32
      %jit3A_129 = arith.constant 128 : i32
      %eq3A_130 = arith.constant 0 : i32
      %eq3A_131 = arith.cmpi eq, %jit3A_129, %eq3A_130 : i32
      %jit3A_132 = arith.constant 1 : i32
      %select_n3A_133 = arith.select %eq3A_131, %jit3A_132, %jit3A_129 : i32
      %rem3A_134 = arith.remsi %add3A_104, %select_n3A_133 : i32
      %ne3A_135 = arith.constant 0 : i32
      %ne3A_136 = arith.cmpi ne, %rem3A_134, %ne3A_135 : i32
      %lt3A_137 = arith.constant 0 : i32
      %lt3A_138 = arith.cmpi slt, %rem3A_134, %lt3A_137 : i32
      %lt3A_139 = arith.constant 0 : i32
      %lt3A_140 = arith.cmpi slt, %select_n3A_133, %lt3A_139 : i32
      %ne3A_141 = arith.xori %lt3A_138, %lt3A_140 : i1
      %and3A_142 = arith.andi %ne3A_141, %ne3A_136 : i1
      %add3A_143 = arith.addi %rem3A_134, %select_n3A_133 : i32
      %select_n3A_144 = arith.select %and3A_142, %add3A_143, %rem3A_134 : i32
      %dma_wait3A_145 = arith.constant 0 : i32
      %dma_wait3A_146 = tpu.memref_slice %arg5[%add3A_21, %dma_wait3A_145] : memref<104x128xi32, #tpu.memory_space<vmem>> -> memref<1x128xi32, #tpu.memory_space<vmem>>
      %dma_wait3A_147 = tpu.memref_squeeze %dma_wait3A_146 : memref<1x128xi32, #tpu.memory_space<vmem>> -> memref<128xi32, #tpu.memory_space<vmem>>
      %dma_wait3A_148 = arith.constant 0 : i32
      %dma_wait3A_149 = arith.constant 0 : i32
      %dma_wait3A_150 = tpu.memref_slice %arg2[%dma_wait3A_148, %dma_wait3A_149] : memref<1000000x64xf32, #tpu.memory_space<hbm>> -> memref<1000000x64xf32, #tpu.memory_space<hbm>>
      tpu.wait_indirect_dma semaphore(%arg11 : memref<!tpu.dma_semaphore, #tpu.memory_space<semaphore_mem>>) src(%dma_wait3A_150 : memref<1000000x64xf32, #tpu.memory_space<hbm>>) dst(%arg7 : memref<128x64xf32, #tpu.memory_space<vmem>>)
      %mul3A_151 = arith.constant 128 : i32
      %mul3A_152 = arith.muli %select_n3A_144, %mul3A_151 : i32
      %dma_start3A_153 = arith.constant 0 : i32
      %dma_start3A_154 = tpu.memref_slice %arg4[%mul3A_152, %select_n3A_128, %dma_start3A_153] : memref<16384x32x128xf32, #tpu.memory_space<hbm>> -> memref<128x1x64xf32, #tpu.memory_space<hbm>>
      %dma_start3A_155 = tpu.memref_squeeze %dma_start3A_154 : memref<128x1x64xf32, #tpu.memory_space<hbm>> -> memref<128x64xf32, #tpu.memory_space<hbm>>
      %dma_start3A_156 = arith.constant 0 : i32
      %dma_start3A_157 = tpu.memref_slice %arg4[%mul3A_152, %select_n3A_128, %dma_start3A_156] : memref<16384x32x128xf32, #tpu.memory_space<hbm>> -> memref<128x1x64xf32, #tpu.memory_space<hbm>>
      %dma_start3A_158 = tpu.memref_squeeze %dma_start3A_157 : memref<128x1x64xf32, #tpu.memory_space<hbm>> -> memref<128x64xf32, #tpu.memory_space<hbm>>
      tpu.enqueue_dma source(%arg7 : memref<128x64xf32, #tpu.memory_space<vmem>>) target(%dma_start3A_158 : memref<128x64xf32, #tpu.memory_space<hbm>>) target_semaphore(%arg15 : memref<!tpu.dma_semaphore, #tpu.memory_space<semaphore_mem>>)
      %mul3A_159 = arith.constant 104 : i32
      %mul3A_160 = arith.muli %add3A, %mul3A_159 : i32
      %mul3A_161 = arith.constant 4 : i32
      %mul3A_162 = arith.muli %mul3A_161, %scan3A_8 : i32
      %add3A_163 = arith.addi %mul3A_160, %mul3A_162 : i32
      %add3A_164 = arith.constant 2 : i32
      %add3A_165 = arith.addi %add3A_163, %add3A_164 : i32
      %jit3A_166 = arith.constant 128 : i32
      %div3A_167 = arith.divsi %add3A_165, %jit3A_166 : i32
      %sign3A_168 = arith.constant 0 : i32
      %sign3A_169 = arith.cmpi sgt, %add3A_165, %sign3A_168 : i32
      %sign3A_170 = arith.extui %sign3A_169 : i1 to i32
      %sign3A_171 = arith.constant 0 : i32
      %sign3A_172 = arith.cmpi slt, %add3A_165, %sign3A_171 : i32
      %sign3A_173 = arith.extui %sign3A_172 : i1 to i32
      %sign3A_174 = arith.subi %sign3A_170, %sign3A_173 : i32
      %sign3A_175 = arith.constant 0 : i32
      %sign3A_176 = arith.cmpi sgt, %jit3A_166, %sign3A_175 : i32
      %sign3A_177 = arith.extui %sign3A_176 : i1 to i32
      %sign3A_178 = arith.constant 0 : i32
      %sign3A_179 = arith.cmpi slt, %jit3A_166, %sign3A_178 : i32
      %sign3A_180 = arith.extui %sign3A_179 : i1 to i32
      %sign3A_181 = arith.subi %sign3A_177, %sign3A_180 : i32
      %ne3A_182 = arith.cmpi ne, %sign3A_174, %sign3A_181 : i32
      %rem3A_183 = arith.remsi %add3A_165, %jit3A_166 : i32
      %ne3A_184 = arith.constant 0 : i32
      %ne3A_185 = arith.cmpi ne, %rem3A_183, %ne3A_184 : i32
      %and3A_186 = arith.andi %ne3A_182, %ne3A_185 : i1
      %sub3A_187 = arith.constant 1 : i32
      %sub3A_188 = arith.subi %div3A_167, %sub3A_187 : i32
      %select_n3A_189 = arith.select %and3A_186, %sub3A_188, %div3A_167 : i32
      %jit3A_190 = arith.constant 128 : i32
      %eq3A_191 = arith.constant 0 : i32
      %eq3A_192 = arith.cmpi eq, %jit3A_190, %eq3A_191 : i32
      %jit3A_193 = arith.constant 1 : i32
      %select_n3A_194 = arith.select %eq3A_192, %jit3A_193, %jit3A_190 : i32
      %rem3A_195 = arith.remsi %add3A_165, %select_n3A_194 : i32
      %ne3A_196 = arith.constant 0 : i32
      %ne3A_197 = arith.cmpi ne, %rem3A_195, %ne3A_196 : i32
      %lt3A_198 = arith.constant 0 : i32
      %lt3A_199 = arith.cmpi slt, %rem3A_195, %lt3A_198 : i32
      %lt3A_200 = arith.constant 0 : i32
      %lt3A_201 = arith.cmpi slt, %select_n3A_194, %lt3A_200 : i32
      %ne3A_202 = arith.xori %lt3A_199, %lt3A_201 : i1
      %and3A_203 = arith.andi %ne3A_202, %ne3A_197 : i1
      %add3A_204 = arith.addi %rem3A_195, %select_n3A_194 : i32
      %select_n3A_205 = arith.select %and3A_203, %add3A_204, %rem3A_195 : i32
      %dma_wait3A_206 = arith.constant 0 : i32
      %dma_wait3A_207 = tpu.memref_slice %arg5[%add3A_31, %dma_wait3A_206] : memref<104x128xi32, #tpu.memory_space<vmem>> -> memref<1x128xi32, #tpu.memory_space<vmem>>
      %dma_wait3A_208 = tpu.memref_squeeze %dma_wait3A_207 : memref<1x128xi32, #tpu.memory_space<vmem>> -> memref<128xi32, #tpu.memory_space<vmem>>
      %dma_wait3A_209 = arith.constant 0 : i32
      %dma_wait3A_210 = arith.constant 0 : i32
      %dma_wait3A_211 = tpu.memref_slice %arg2[%dma_wait3A_209, %dma_wait3A_210] : memref<1000000x64xf32, #tpu.memory_space<hbm>> -> memref<1000000x64xf32, #tpu.memory_space<hbm>>
      tpu.wait_indirect_dma semaphore(%arg12 : memref<!tpu.dma_semaphore, #tpu.memory_space<semaphore_mem>>) src(%dma_wait3A_211 : memref<1000000x64xf32, #tpu.memory_space<hbm>>) dst(%arg8 : memref<128x64xf32, #tpu.memory_space<vmem>>)
      %mul3A_212 = arith.constant 128 : i32
      %mul3A_213 = arith.muli %select_n3A_205, %mul3A_212 : i32
      %dma_start3A_214 = arith.constant 0 : i32
      %dma_start3A_215 = tpu.memref_slice %arg4[%mul3A_213, %select_n3A_189, %dma_start3A_214] : memref<16384x32x128xf32, #tpu.memory_space<hbm>> -> memref<128x1x64xf32, #tpu.memory_space<hbm>>
      %dma_start3A_216 = tpu.memref_squeeze %dma_start3A_215 : memref<128x1x64xf32, #tpu.memory_space<hbm>> -> memref<128x64xf32, #tpu.memory_space<hbm>>
      %dma_start3A_217 = arith.constant 0 : i32
      %dma_start3A_218 = tpu.memref_slice %arg4[%mul3A_213, %select_n3A_189, %dma_start3A_217] : memref<16384x32x128xf32, #tpu.memory_space<hbm>> -> memref<128x1x64xf32, #tpu.memory_space<hbm>>
      %dma_start3A_219 = tpu.memref_squeeze %dma_start3A_218 : memref<128x1x64xf32, #tpu.memory_space<hbm>> -> memref<128x64xf32, #tpu.memory_space<hbm>>
      tpu.enqueue_dma source(%arg8 : memref<128x64xf32, #tpu.memory_space<vmem>>) target(%dma_start3A_219 : memref<128x64xf32, #tpu.memory_space<hbm>>) target_semaphore(%arg16 : memref<!tpu.dma_semaphore, #tpu.memory_space<semaphore_mem>>)
      %mul3A_220 = arith.constant 104 : i32
      %mul3A_221 = arith.muli %add3A, %mul3A_220 : i32
      %mul3A_222 = arith.constant 4 : i32
      %mul3A_223 = arith.muli %mul3A_222, %scan3A_8 : i32
      %add3A_224 = arith.addi %mul3A_221, %mul3A_223 : i32
      %add3A_225 = arith.constant 3 : i32
      %add3A_226 = arith.addi %add3A_224, %add3A_225 : i32
      %jit3A_227 = arith.constant 128 : i32
      %div3A_228 = arith.divsi %add3A_226, %jit3A_227 : i32
      %sign3A_229 = arith.constant 0 : i32
      %sign3A_230 = arith.cmpi sgt, %add3A_226, %sign3A_229 : i32
      %sign3A_231 = arith.extui %sign3A_230 : i1 to i32
      %sign3A_232 = arith.constant 0 : i32
      %sign3A_233 = arith.cmpi slt, %add3A_226, %sign3A_232 : i32
      %sign3A_234 = arith.extui %sign3A_233 : i1 to i32
      %sign3A_235 = arith.subi %sign3A_231, %sign3A_234 : i32
      %sign3A_236 = arith.constant 0 : i32
      %sign3A_237 = arith.cmpi sgt, %jit3A_227, %sign3A_236 : i32
      %sign3A_238 = arith.extui %sign3A_237 : i1 to i32
      %sign3A_239 = arith.constant 0 : i32
      %sign3A_240 = arith.cmpi slt, %jit3A_227, %sign3A_239 : i32
      %sign3A_241 = arith.extui %sign3A_240 : i1 to i32
      %sign3A_242 = arith.subi %sign3A_238, %sign3A_241 : i32
      %ne3A_243 = arith.cmpi ne, %sign3A_235, %sign3A_242 : i32
      %rem3A_244 = arith.remsi %add3A_226, %jit3A_227 : i32
      %ne3A_245 = arith.constant 0 : i32
      %ne3A_246 = arith.cmpi ne, %rem3A_244, %ne3A_245 : i32
      %and3A_247 = arith.andi %ne3A_243, %ne3A_246 : i1
      %sub3A_248 = arith.constant 1 : i32
      %sub3A_249 = arith.subi %div3A_228, %sub3A_248 : i32
      %select_n3A_250 = arith.select %and3A_247, %sub3A_249, %div3A_228 : i32
      %jit3A_251 = arith.constant 128 : i32
      %eq3A_252 = arith.constant 0 : i32
      %eq3A_253 = arith.cmpi eq, %jit3A_251, %eq3A_252 : i32
      %jit3A_254 = arith.constant 1 : i32
      %select_n3A_255 = arith.select %eq3A_253, %jit3A_254, %jit3A_251 : i32
      %rem3A_256 = arith.remsi %add3A_226, %select_n3A_255 : i32
      %ne3A_257 = arith.constant 0 : i32
      %ne3A_258 = arith.cmpi ne, %rem3A_256, %ne3A_257 : i32
      %lt3A_259 = arith.constant 0 : i32
      %lt3A_260 = arith.cmpi slt, %rem3A_256, %lt3A_259 : i32
      %lt3A_261 = arith.constant 0 : i32
      %lt3A_262 = arith.cmpi slt, %select_n3A_255, %lt3A_261 : i32
      %ne3A_263 = arith.xori %lt3A_260, %lt3A_262 : i1
      %and3A_264 = arith.andi %ne3A_263, %ne3A_258 : i1
      %add3A_265 = arith.addi %rem3A_256, %select_n3A_255 : i32
      %select_n3A_266 = arith.select %and3A_264, %add3A_265, %rem3A_256 : i32
      %dma_wait3A_267 = arith.constant 0 : i32
      %dma_wait3A_268 = tpu.memref_slice %arg5[%add3A_41, %dma_wait3A_267] : memref<104x128xi32, #tpu.memory_space<vmem>> -> memref<1x128xi32, #tpu.memory_space<vmem>>
      %dma_wait3A_269 = tpu.memref_squeeze %dma_wait3A_268 : memref<1x128xi32, #tpu.memory_space<vmem>> -> memref<128xi32, #tpu.memory_space<vmem>>
      %dma_wait3A_270 = arith.constant 0 : i32
      %dma_wait3A_271 = arith.constant 0 : i32
      %dma_wait3A_272 = tpu.memref_slice %arg2[%dma_wait3A_270, %dma_wait3A_271] : memref<1000000x64xf32, #tpu.memory_space<hbm>> -> memref<1000000x64xf32, #tpu.memory_space<hbm>>
      tpu.wait_indirect_dma semaphore(%arg13 : memref<!tpu.dma_semaphore, #tpu.memory_space<semaphore_mem>>) src(%dma_wait3A_272 : memref<1000000x64xf32, #tpu.memory_space<hbm>>) dst(%arg9 : memref<128x64xf32, #tpu.memory_space<vmem>>)
      %mul3A_273 = arith.constant 128 : i32
      %mul3A_274 = arith.muli %select_n3A_266, %mul3A_273 : i32
      %dma_start3A_275 = arith.constant 0 : i32
      %dma_start3A_276 = tpu.memref_slice %arg4[%mul3A_274, %select_n3A_250, %dma_start3A_275] : memref<16384x32x128xf32, #tpu.memory_space<hbm>> -> memref<128x1x64xf32, #tpu.memory_space<hbm>>
      %dma_start3A_277 = tpu.memref_squeeze %dma_start3A_276 : memref<128x1x64xf32, #tpu.memory_space<hbm>> -> memref<128x64xf32, #tpu.memory_space<hbm>>
      %dma_start3A_278 = arith.constant 0 : i32
      %dma_start3A_279 = tpu.memref_slice %arg4[%mul3A_274, %select_n3A_250, %dma_start3A_278] : memref<16384x32x128xf32, #tpu.memory_space<hbm>> -> memref<128x1x64xf32, #tpu.memory_space<hbm>>
      %dma_start3A_280 = tpu.memref_squeeze %dma_start3A_279 : memref<128x1x64xf32, #tpu.memory_space<hbm>> -> memref<128x64xf32, #tpu.memory_space<hbm>>
      tpu.enqueue_dma source(%arg9 : memref<128x64xf32, #tpu.memory_space<vmem>>) target(%dma_start3A_280 : memref<128x64xf32, #tpu.memory_space<hbm>>) target_semaphore(%arg17 : memref<!tpu.dma_semaphore, #tpu.memory_space<semaphore_mem>>)
      %dma_wait3A_281 = arith.constant 0 : i32
      %dma_wait3A_282 = tpu.memref_slice %arg4[%mul3A_91, %select_n3A, %dma_wait3A_281] : memref<16384x32x128xf32, #tpu.memory_space<hbm>> -> memref<128x1x64xf32, #tpu.memory_space<hbm>>
      %dma_wait3A_283 = tpu.memref_squeeze %dma_wait3A_282 : memref<128x1x64xf32, #tpu.memory_space<hbm>> -> memref<128x64xf32, #tpu.memory_space<hbm>>
      %dma_wait3A_284 = arith.constant 0 : i32
      %dma_wait3A_285 = tpu.memref_slice %arg4[%mul3A_91, %select_n3A, %dma_wait3A_284] : memref<16384x32x128xf32, #tpu.memory_space<hbm>> -> memref<128x1x64xf32, #tpu.memory_space<hbm>>
      %dma_wait3A_286 = tpu.memref_squeeze %dma_wait3A_285 : memref<128x1x64xf32, #tpu.memory_space<hbm>> -> memref<128x64xf32, #tpu.memory_space<hbm>>
      tpu.wait_dma2 semaphore(%arg14 : memref<!tpu.dma_semaphore, #tpu.memory_space<semaphore_mem>>) src(%arg6 : memref<128x64xf32, #tpu.memory_space<vmem>>) dst(%dma_wait3A_286 : memref<128x64xf32, #tpu.memory_space<hbm>>)
      %dma_wait3A_287 = arith.constant 0 : i32
      %dma_wait3A_288 = tpu.memref_slice %arg4[%mul3A_152, %select_n3A_128, %dma_wait3A_287] : memref<16384x32x128xf32, #tpu.memory_space<hbm>> -> memref<128x1x64xf32, #tpu.memory_space<hbm>>
      %dma_wait3A_289 = tpu.memref_squeeze %dma_wait3A_288 : memref<128x1x64xf32, #tpu.memory_space<hbm>> -> memref<128x64xf32, #tpu.memory_space<hbm>>
      %dma_wait3A_290 = arith.constant 0 : i32
      %dma_wait3A_291 = tpu.memref_slice %arg4[%mul3A_152, %select_n3A_128, %dma_wait3A_290] : memref<16384x32x128xf32, #tpu.memory_space<hbm>> -> memref<128x1x64xf32, #tpu.memory_space<hbm>>
      %dma_wait3A_292 = tpu.memref_squeeze %dma_wait3A_291 : memref<128x1x64xf32, #tpu.memory_space<hbm>> -> memref<128x64xf32, #tpu.memory_space<hbm>>
      tpu.wait_dma2 semaphore(%arg15 : memref<!tpu.dma_semaphore, #tpu.memory_space<semaphore_mem>>) src(%arg7 : memref<128x64xf32, #tpu.memory_space<vmem>>) dst(%dma_wait3A_292 : memref<128x64xf32, #tpu.memory_space<hbm>>)
      %dma_wait3A_293 = arith.constant 0 : i32
      %dma_wait3A_294 = tpu.memref_slice %arg4[%mul3A_213, %select_n3A_189, %dma_wait3A_293] : memref<16384x32x128xf32, #tpu.memory_space<hbm>> -> memref<128x1x64xf32, #tpu.memory_space<hbm>>
      %dma_wait3A_295 = tpu.memref_squeeze %dma_wait3A_294 : memref<128x1x64xf32, #tpu.memory_space<hbm>> -> memref<128x64xf32, #tpu.memory_space<hbm>>
      %dma_wait3A_296 = arith.constant 0 : i32
      %dma_wait3A_297 = tpu.memref_slice %arg4[%mul3A_213, %select_n3A_189, %dma_wait3A_296] : memref<16384x32x128xf32, #tpu.memory_space<hbm>> -> memref<128x1x64xf32, #tpu.memory_space<hbm>>
      %dma_wait3A_298 = tpu.memref_squeeze %dma_wait3A_297 : memref<128x1x64xf32, #tpu.memory_space<hbm>> -> memref<128x64xf32, #tpu.memory_space<hbm>>
      tpu.wait_dma2 semaphore(%arg16 : memref<!tpu.dma_semaphore, #tpu.memory_space<semaphore_mem>>) src(%arg8 : memref<128x64xf32, #tpu.memory_space<vmem>>) dst(%dma_wait3A_298 : memref<128x64xf32, #tpu.memory_space<hbm>>)
      %dma_wait3A_299 = arith.constant 0 : i32
      %dma_wait3A_300 = tpu.memref_slice %arg4[%mul3A_274, %select_n3A_250, %dma_wait3A_299] : memref<16384x32x128xf32, #tpu.memory_space<hbm>> -> memref<128x1x64xf32, #tpu.memory_space<hbm>>
      %dma_wait3A_301 = tpu.memref_squeeze %dma_wait3A_300 : memref<128x1x64xf32, #tpu.memory_space<hbm>> -> memref<128x64xf32, #tpu.memory_space<hbm>>
      %dma_wait3A_302 = arith.constant 0 : i32
      %dma_wait3A_303 = tpu.memref_slice %arg4[%mul3A_274, %select_n3A_250, %dma_wait3A_302] : memref<16384x32x128xf32, #tpu.memory_space<hbm>> -> memref<128x1x64xf32, #tpu.memory_space<hbm>>
      %dma_wait3A_304 = tpu.memref_squeeze %dma_wait3A_303 : memref<128x1x64xf32, #tpu.memory_space<hbm>> -> memref<128x64xf32, #tpu.memory_space<hbm>>
      tpu.wait_dma2 semaphore(%arg17 : memref<!tpu.dma_semaphore, #tpu.memory_space<semaphore_mem>>) src(%arg9 : memref<128x64xf32, #tpu.memory_space<vmem>>) dst(%dma_wait3A_304 : memref<128x64xf32, #tpu.memory_space<hbm>>)
    }
    %scan3A_7 = arith.constant 26 : i32
    return
  }
}

</mosaic_0001>

<sc_bundles>
// kernel: kernel.3.cloned.1.call-start
scs
__scs_entry_jumppad:
0x0: {  	(pc) =	sbr.rel $0x88, $3  }
0x1: {  	(tag) =	ssettag $0x0;
	lr =	simm.s32 $0x1  }
0x2: {  	[smem:$0x3F9F] =	sst lr;
	_ =	strace $0xD0000000  }
0x3: {  	_ = 	snop  }
0x4: {  	_ = 	snop  }
0x5: {  	_ = 	snop  }
0x6: {  	_ = 	snop  }
0x7: {  	_ = 	snop  }
__scs_overlays_trampoline_lowered:
0x8: {  	[smem:$0x3FAE] =	sst s0  }
0x9: {  	[smem:$0x3FAF] =	sst s1  }
0xa: {  	[smem:$0x3FB0] =	sst s2  }
0xb: {  	[smem:$0x3FB1] =	sst s3  }
0xc: {  	[smem:$0x3FB2] =	sst s4  }
0xd: {  	[smem:$0x3FB3] =	sst s5  }
0xe: {  	[smem:$0x3FB4] =	sst s6  }
0xf: {  	[smem:$0x3FB5] =	sst s7  }
0x10: {  	[smem:$0x3FB6] =	sst s8  }
0x11: {  	[smem:$0x3FB7] =	sst s9;
	s0 =	simm.s32 @!p0 $0x0  }
0x12: {  	s1 =	sld [smem:$0x3F9D];
	s0 =	simm.s32 @p0 $0x1  }
0x13: {  	[smem:$0x3FB8] =	sst s0;
	s0 =	simm.s32 @!p1 $0x0  }
0x14: {  	s2 =	sld [smem:$0x3F9C];
	s0 =	simm.s32 @p1 $0x1  }
0x15: {  	[smem:$0x3FB9] =	sst s0;
	s0 =	simm.s32 @!p2 $0x0  }
0x16: {  	s3 =	sld [smem:$0x3FDB];
	s0 =	simm.s32 @p2 $0x1  }
0x17: {  	s4 =	simm.s32 $0x1BF5;
	[smem:$0x3FBB] =	sst s0  }
0x18: {  	s0 =	sld [smem:$0x3F9E];
	_ =	swait.ge [sflag:s4], $0x0  }
0x19: {  	s7 =	sld [smem:$0x3F9F]  }
0x1a: {  	s8 =	sadd.s32 $0xFFFFE003, lr  }
0x1b: {  	s9 =	sadd.s32 $0xFFFFFEF7, lr;
	s5 =	simm.s32 $0xFFFFFFFF;
	p2 =	slt.u32 s8, $0xFFFFF086  }
0x1c: {  	p1 =	slt.u32 s9, $0xF7A;
	s5 =	simm.s32 @!p2 $0x0  }
0x1d: {  	s5 =	simm.s32 @p1 $0x1;
	p0 =	seq.s32 s7, s2  }
0x1e: {  	s7 =	smul.u32 @!p0 $0xF7A, s2;
	p2 =	seq.s32 @!p0 s5, $0x0  }
0x1f: {  	s9 =	smul.u32 $0xF7A, s1;
	s8 =	simm.s32 @!p0 $0x1BF5;
	p2 =	por !p2, p0  }
0x20: {  	[sflag:s8] =	ssyncset.s32 @!p0 $0xFFFFF086;
	s6 =	sadd.s32 @!p0 s3, s7;
	s7 =	simm.s32 @!p0 $0x108  }
0x21: {  	s3 =	sadd.s32 s3, s9;
	s6 =	sadd.s32 @!p0 $0x88, s6;
	s7 =	simm.s32 @p2 $0x1082  }
0x22: {  	[simem:s7], [sflag:s8] =	dma.local @!p0 [hbm:s6], $0xF7A  }
0x23: {  	s9 =	sor.u32 $0xD0000000, s2;
	s6 =	simm.s32 $0x108;
	_ =	swait.ge @!p0 [sflag:s8], $0x0  }
0x24: {  	s3 =	sadd.s32 $0x88, s3;
	s6 =	simm.s32 @!p1 $0x1082;
	[sflag:s4] =	ssyncset.s32 $0xFFFFF086  }
0x25: {  	[simem:s6], [sflag:s4] =	dma.local [hbm:s3], $0xF7A  }
0x26: {  	[smem:$0x3F9F] =	sst s1;
	(tag) =	ssettag s2;
	_ =	strace s9  }
0x27: {  	s1 =	sld [smem:$0x3FAF]  }
0x28: {  	s2 =	sld [smem:$0x3FB0]  }
0x29: {  	s4 =	sld [smem:$0x3FB2]  }
0x2a: {  	p0 =	seq.s32 s5, $0x0;
	s5 =	sld [smem:$0x3FB3]  }
0x2b: {  	s6 =	sld [smem:$0x3FB4]  }
0x2c: {  	s7 =	sld [smem:$0x3FB5]  }
0x2d: {  	s3 =	simm.s32 $0x108;
	s8 =	sld [smem:$0x3FB6]  }
0x2e: {  	s3 =	simm.s32 @!p0 $0x1082;
	s9 =	sld [smem:$0x3FB7]  }
0x2f: {  	lr =	sadd.s32 s0, s3;
	s0 =	sld [smem:$0x3FAE]  }
0x30: {  	s3 =	sld [smem:$0x3FB1]  }
0x31: {  	[smem:$0x3FBA] =	sst s10  }
0x32: {  	s10 =	sld [smem:$0x3FB8];
	_ =	sdelay $0x3  }
0x33: {  	p0 =	seq.s32 s10, $0x1;
	s10 =	sld [smem:$0x3FBA];
	_ =	sdelay $0x3  }
0x34: {  	[smem:$0x3FBA] =	sst s10  }
0x35: {  	s10 =	sld [smem:$0x3FB9];
	_ =	sdelay $0x3  }
0x36: {  	p1 =	seq.s32 s10, $0x1;
	s10 =	sld [smem:$0x3FBA];
	_ =	sdelay $0x3  }
0x37: {  	[smem:$0x3FBA] =	sst s10  }
0x38: {  	s10 =	sld [smem:$0x3FBB]  }
0x39: {  	_ = 	snop;
	(pc) =	sbr.ind lr, $3  }
0x3a: {  	_ = 	snop  }
0x3b: {  	_ = 	snop  }
0x3c: {  	p2 =	seq.s32 s10, $0x1;
	s10 =	sld [smem:$0x3FBA]  }
0x3d: {  	_ =	shalt  }
0x3e: {  	_ =	shalt  }
0x3f: {  	_ =	shalt  }
0x40: {  	_ =	shalt  }
0x41: {  	_ =	shalt  }
0x42: {  	_ =	shalt  }
0x43: {  	_ =	shalt  }
0x44: {  	_ =	shalt  }
0x45: {  	_ =	shalt  }
0x46: {  	_ =	shalt  }
0x47: {  	_ =	shalt  }
0x48: {  	_ =	shalt  }
0x49: {  	_ =	shalt  }
0x4a: {  	_ =	shalt  }
0x4b: {  	_ =	shalt  }
0x4c: {  	_ =	shalt  }
0x4d: {  	_ =	shalt  }
0x4e: {  	_ =	shalt  }
0x4f: {  	_ =	shalt  }
0x50: {  	_ =	shalt  }
0x51: {  	_ =	shalt  }
0x52: {  	_ =	shalt  }
0x53: {  	_ =	shalt  }
0x54: {  	_ =	shalt  }
0x55: {  	_ =	shalt  }
0x56: {  	_ =	shalt  }
0x57: {  	_ =	shalt  }
0x58: {  	_ =	shalt  }
0x59: {  	_ =	shalt  }
0x5a: {  	_ =	shalt  }
0x5b: {  	_ =	shalt  }
0x5c: {  	_ =	shalt  }
0x5d: {  	_ =	shalt  }
0x5e: {  	_ =	shalt  }
0x5f: {  	_ =	shalt  }
0x60: {  	_ =	shalt  }
0x61: {  	_ =	shalt  }
0x62: {  	_ =	shalt  }
0x63: {  	_ =	shalt  }
0x64: {  	_ =	shalt  }
0x65: {  	_ =	shalt  }
0x66: {  	_ =	shalt  }
0x67: {  	_ =	shalt  }
0x68: {  	_ =	shalt  }
0x69: {  	_ =	shalt  }
0x6a: {  	_ =	shalt  }
0x6b: {  	_ =	shalt  }
0x6c: {  	_ =	shalt  }
0x6d: {  	_ =	shalt  }
0x6e: {  	_ =	shalt  }
0x6f: {  	_ =	shalt  }
0x70: {  	_ =	shalt  }
0x71: {  	_ =	shalt  }
0x72: {  	_ =	shalt  }
0x73: {  	_ =	shalt  }
0x74: {  	_ =	shalt  }
0x75: {  	_ =	shalt  }
0x76: {  	_ =	shalt  }
0x77: {  	_ =	shalt  }
0x78: {  	_ =	shalt  }
0x79: {  	_ =	shalt  }
0x7a: {  	_ =	shalt  }
0x7b: {  	_ =	shalt  }
0x7c: {  	_ =	shalt  }
0x7d: {  	_ =	shalt  }
0x7e: {  	_ =	shalt  }
0x7f: {  	_ =	shalt  }
0x80: {  	_ =	shalt  }
0x81: {  	_ =	shalt  }
0x82: {  	_ =	shalt  }
0x83: {  	_ =	shalt  }
0x84: {  	_ =	shalt  }
0x85: {  	_ =	shalt  }
0x86: {  	_ =	shalt  }
0x87: {  	_ =	shalt  }
.Lfunc_end0:
.L_simem_size_0:
called_computation.1_lowered:
.L_overlay_start_0:
0x88: {  	s2 =	sld [smem:$0x3FD9]  }
0x89: {  	s3 =	sld [smem:$0x3FFE];
	_ =	sdelay $0x1  }
0x8a: {  	s1 =	srdreg.scid  }
0x8b: {  	s0 =	sand.u32 $0x1, s1  }
0x8c: {  	s17 =	sshll.u32 s0, $0xA;
	s2 =	sadd.s32 s3, s2  }
0x8d: {  	s2 =	sadd.s32 s2, s17  }
0x8e: {  	[smem:$0x3FC6] =	sst s2  }
0x8f: {  	_ = 	snop  }
0x90: {  	s2 =	sld [smem:$0x3FD0];
	(tm) =	ssettm $0x1  }
0x91: {  	s18 =	sld [smem:$0x3FFB];
	_ =	sdelay $0x3  }
0x92: {  	_ =	strace s18  }
0x93: {  	s3 =	sld [smem:$0x3FFC];
	_ =	sdelay $0x3  }
0x94: {  	_ =	strace s3  }
0x95: {  	s3 =	sld [smem:$0x3FFD];
	_ =	sdelay $0x3  }
0x96: {  	_ =	strace s3  }
0x97: {  	_ =	strace $0x8FFFFFFF  }
0x98: {  	s19 =	sld [smem:$0x3FDB];
	_ =	sdelay $0x1  }
0x99: {  	s4 =	simm.s32 $_scs_section_size  }
0x9a: {  	s5 =	simm.s32 $_size__tile_overlayer_lowered;
	s6 =	simm.s32 $_tile_overlayer_lowered  }
0x9b: {  	s22 =	simm.s32 $0x1BFF;
	s21 =	sshll.u32 s6, $0x1;
	s3 =	sadd.s32 s4, s19  }
0x9c: {  	s7 =	simm.s32 $0x0;
	s20 =	sshll.u32 s5, $0x1;
	s5 =	sadd.s32 s21, s3  }
0x9d: {  	[timem:s7], [sflag:s22] =	dma.local [hbm:s5], s20  }
0x9e: {  	_ =	swait.ge [sflag:s22], s20  }
0x9f: {  	s4 =	ssub.s32 $0x0, s20;
	[sflag:s22] =	ssyncset.done $0x0  }
0xa0: {  	[sflag:s22] =	ssyncadd.s32 s4;
	_ =	sdelay $0x1  }
0xa1: {  	s23 =	simm.s32 $0x1B8B  }
0xa2: {  	_ =	swait.ge [sflag:s23], $0x1  }
0xa3: {  	[sflag:s23] =	ssyncset.done $0x0  }
0xa4: {  	s25 =	simm.s32 $0x1B8E;
	s24 =	sld [smem:$0x3FFE];
	[sflag:s23] =	ssyncadd.s32 $0xFFFFFFFF  }
0xa5: {  	s26 =	simm.s32 $execute0_lowered;
	[smem:$0x3FD2] =	sst s25  }
0xa6: {  	s5 =	sshll.u32 s26, $0x1;
	_ =	strace $0x80000046;
	[dreg:$0x1] =	wrdreg $0xFFFFFFFF  }
0xa7: {  	s28 =	simm.s32 $_size_execute0_lowered;
	s3 =	sadd.s32 s3, s5;
	[dreg:$0x0] =	wrdreg $0x0  }
0xa8: {  	s5 =	sshll.u32 s28, $0x1;
	[dreg:$0x2] =	wrdreg s3  }
0xa9: {  	[dreg:$0x3] =	wrdreg s5  }
0xaa: {  	[dreg:$0x4] =	wrdreg $0xC0  }
0xab: {  	_ =	task [dreg:s7], $0x5FFFF  }
0xac: {  	[dreg:$0x1] =	wrdreg $0xFFFFFFFF  }
0xad: {  	[dreg:$0x0] =	wrdreg $0x60  }
0xae: {  	[dreg:$0x2] =	wrdreg s24  }
0xaf: {  	[dreg:$0x3] =	wrdreg s2  }
0xb0: {  	[dreg:$0x4] =	wrdreg $0x9  }
0xb1: {  	_ =	task.clear_ibuf [dreg:s7], $0x5FFFF;
	_ =	strace $0x90000046  }
0xb2: {  	s29 =	simm.s32 $0x9;
	_ =	strace $0x80000048  }
0xb3: {  	_ =	swait.ge [sflag:s29], $0x1  }
0xb4: {  	[sflag:s29] =	ssyncadd.s32 $0xFFFFFFFF  }
0xb5: {  	_ =	strace $0x90000048  }
0xb6: {  	_ =	sfence  }
0xb7: {  	s30 =	sld [smem:$0x0];
	_ =	sdelay $0x2  }
0xb8: {  	s31 =	sshll.u32 s1, $0xD;
	s1 =	sshrl.u32 s1, $0x2  }
0xb9: {  	s3 =	sand.u32 $0x4000, s31;
	s1 =	sadd.s32 s1, s30  }
0xba: {  	s0 =	sor.u32 s3, s0;
	s1 =	sshll.u32 s1, $0x11  }
0xbb: {  	s0 =	sor.u32 s1, s0  }
0xbc: {  	s0 =	sadd.s32 $0x8F2B, s0  }
0xbd: {  	[sflag:s0] =	ssyncadd.remote.s32 $0x1  }
0xbe: {  	_ =	sfence.sel $0xFFFF  }
0xbf: {  	[dreg:$0x0] =	wrdreg $0xFFFFFFFF;
	(pc) =	sbr.abs _section_cstart, $3  }
0xc0: {  	[dreg:$0x1] =	wrdreg $0xFFFFFFFF  }
0xc1: {  	_ =	task.clear_ibuf [dreg:s7], $0x2FFFF;
	_ =	strace $0x9FFFFFFF  }
0xc2: {  	(tm) =	ssettm $0x7FFFFFFF  }
0xc3: {  	_ =	shalt  }
tec
execute0_lowered:
.L_overlay_start_1:
0x0: {  	(tag) =	ssettag $0x1  }
0x1: {  	s5 =	rddreg [dreg:$0x0]  }
0x2: {  	s4 =	rddreg [dreg:$0x1];
	s2 =	simm.s32 $0x0  }
0x3: {  	s3 =	srdreg.scid;
	s1 =	stileid.u32;
	s12 =	simm.s32 $0x7400  }
0x4: {  	s13 =	simm.s32 $0x9400;
	s14 =	simm.s32 $0x1;
	s15 =	simm.s32 $0x40  }
0x5: {  	s16 =	simm.s32 $0x1000;
	s17 =	simm.s32 $0x2;
	s18 =	simm.s32 $0x3  }
0x6: {  	s19 =	simm.s32 $0x4;
	s20 =	simm.s32 $0x5;
	s21 =	simm.s32 $0x6  }
0x7: {  	s22 =	simm.s32 $0x7;
	s23 =	simm.s32 $0x8;
	s24 =	simm.s32 $0x0  }
0x8: {  	[smem:$0x7FF] =	sst s2;
	s6 =	sand.u32 $0x1, s3;
	s7 =	sshll.u32 s1, $0x1  }
0x9: {  	s3 =	sadd.s32 $0xF42E00, s5;
	s9 =	sadd.s32 $0xA00, s5;
	s26 =	smul.u32 $0xD0, s1  }
0xa: {  	s28 =	sadd.s32 $0x10A00, s5;
	s30 =	sadd.s32 $0x20A00, s5;
	s11 =	smul.u32 $0x6800000, s1  }
0xb: {  	s5 =	sadd.s32 $0x30A00, s5;
	_ =	strace $0x80000047;
	[dreg:$0x3] =	wrdreg s9  }
0xc: {  	s8 =	ssub.s32 $0x2, s6;
	s29 =	smul.u32 $0x68, s6;
	[dreg:$0x4] =	wrdreg s28  }
0xd: {  	s7 =	sor.u32 s6, s7;
	[dreg:$0x5] =	wrdreg s30;
	s31 =	smul.u32 $0x3400000, s6  }
0xe: {  	[dreg:$0x6] =	wrdreg s5;
	s10 =	sshrl.u32 s8, $0x1;
	s7 =	smul.u32 $0x680, s7  }
0xf: {  	s9 =	simm.s32 $0x80;
	s8 =	ssub.s32 s8, s10;
	s6 =	sadd.s32 s29, s26  }
0x10: {  	s10 =	simm.s32 $0x3400;
	s4 =	sadd.s32 s4, s7;
	s5 =	smax.u32 s8, $0x1  }
0x11: {  	s7 =	sadd.s32 s31, s11;
	s8 =	simm.s32 $0x9;
	s11 =	simm.s32 $0x5400  }
.LBB2_1:
0x12: {  	[tilespmem:s2], [sflag:$0x9] =	stream.linear.gather [hbm4b:s4+s2], $0x3400, $0x38;
	[tilespmem:$0xB400] =	vst v63  }
0x13: {  	_ =	swait.ge [sflag:s8], $0x3400  }
0x14: {  	[sflag:s8] =	ssyncset.done $0x0  }
0x15: {  	s25 =	simm.s32 $0x0;
	[sflag:s8] =	ssyncadd.s32 $0xFFFFCC00  }
0x16: {  	[tilespmem:s10], [sflag:$0x1] =	stream.indirect.gather [hbm4b:s3+s9], $0x40, s25, s9, $0xb8;
	[tilespmem:$0xB400] =	vst v63  }
0x17: {  	s31 =	simm.s32 $0x80  }
0x18: {  	[tilespmem:s11], [sflag:$0x2] =	stream.indirect.gather [hbm4b:s3+s9], $0x40, s31, s9, $0xb8;
	[tilespmem:$0xB400] =	vst v63  }
0x19: {  	s0 =	simm.s32 $0x100  }
0x1a: {  	[tilespmem:s12], [sflag:$0x3] =	stream.indirect.gather [hbm4b:s3+s9], $0x40, s0, s9, $0xb8;
	[tilespmem:$0xB400] =	vst v63  }
0x1b: {  	s26 =	simm.s32 $0x180  }
0x1c: {  	[tilespmem:s13], [sflag:$0x4] =	stream.indirect.gather [hbm4b:s3+s9], $0x40, s26, s9, $0xb8;
	[tilespmem:$0xB400] =	vst v63  }
0x1d: {  	s29 =	sand.u32 $0x3E00000, s7;
	s26 =	sand.u32 $0x1F80, s6  }
0x1e: {  	_ =	swait.ge [sflag:s14], $0x2000;
	s25 =	sor.u32 s26, s29  }
0x1f: {  	s28 =	rddreg [dreg:$0x3];
	[sflag:s14] =	ssyncset.done $0x0;
	s25 =	sshrl.u32 s25, $0x3  }
0x20: {  	[sflag:s14] =	ssyncadd.s32 $0xFFFFE000;
	s31 =	sadd.s32 s28, s25  }
0x21: {  	[hbm4b:s31+s15] =	stream.strided.scatter [tilespmem:s10], [sflag:$0x5], $0x2000, s16, s15, $0x38;
	[tilespmem:$0xB400] =	vst v63  }
0x22: {  	_ =	swait.ge [sflag:s17], $0x2000  }
0x23: {  	s0 =	rddreg [dreg:$0x4];
	[sflag:s17] =	ssyncset.done $0x0  }
0x24: {  	[sflag:s17] =	ssyncadd.s32 $0xFFFFE000;
	s26 =	sadd.s32 s25, s0  }
0x25: {  	[hbm4b:s26+s15] =	stream.strided.scatter [tilespmem:s11], [sflag:$0x6], $0x2000, s16, s15, $0x38;
	[tilespmem:$0xB400] =	vst v63  }
0x26: {  	_ =	swait.ge [sflag:s18], $0x2000  }
0x27: {  	s29 =	rddreg [dreg:$0x5];
	[sflag:s18] =	ssyncset.done $0x0  }
0x28: {  	[sflag:s18] =	ssyncadd.s32 $0xFFFFE000;
	s26 =	sadd.s32 s25, s29  }
0x29: {  	[hbm4b:s26+s15] =	stream.strided.scatter [tilespmem:s12], [sflag:$0x7], $0x2000, s16, s15, $0x38;
	[tilespmem:$0xB400] =	vst v63  }
0x2a: {  	_ =	swait.ge [sflag:s19], $0x2000  }
0x2b: {  	s31 =	rddreg [dreg:$0x6];
	[sflag:s19] =	ssyncset.done $0x0  }
0x2c: {  	[sflag:s19] =	ssyncadd.s32 $0xFFFFE000;
	s25 =	sadd.s32 s25, s31  }
0x2d: {  	[hbm4b:s25+s15] =	stream.strided.scatter [tilespmem:s13], [sflag:$0x8], $0x2000, s16, s15, $0x38;
	[tilespmem:$0xB400] =	vst v63  }
0x2e: {  	_ =	swait.ge [sflag:s20], $0x2000  }
0x2f: {  	[sflag:s20] =	ssyncset.done $0x0  }
0x30: {  	[sflag:s20] =	ssyncadd.s32 $0xFFFFE000  }
0x31: {  	_ =	swait.ge [sflag:s21], $0x2000  }
0x32: {  	[sflag:s21] =	ssyncset.done $0x0  }
0x33: {  	[sflag:s21] =	ssyncadd.s32 $0xFFFFE000  }
0x34: {  	_ =	swait.ge [sflag:s22], $0x2000  }
0x35: {  	[sflag:s22] =	ssyncset.done $0x0  }
0x36: {  	[sflag:s22] =	ssyncadd.s32 $0xFFFFE000  }
0x37: {  	s30 =	simm.s32 $0x1000;
	s28 =	simm.s32 $0x800;
	_ =	swait.ge [sflag:s23], $0x2000  }
0x38: {  	s26 =	sadd.s32 $0x200000, s7;
	s25 =	sadd.s32 $0x4, s6;
	[sflag:s23] =	ssyncset.done $0x0  }
.LBB2_2:
0x39: {  	s31 =	sshra.s32 s28, $0x2;
	[sflag:s23] =	ssyncadd.s32 $0xFFFFE000;
	s28 =	smov.u32 s30  }
0x3a: {  	[tilespmem:s10], [sflag:$0x1] =	stream.indirect.gather [hbm4b:s3+s9], $0x40, s31, s9, $0xb8;
	[tilespmem:$0xB400] =	vst v63  }
0x3b: {  	s29 =	sadd.s32 $0x800, s30;
	p0 =	sne.s32 s30, $0xC800;
	s30 =	sadd.s32 $0x80, s31  }
0x3c: {  	[tilespmem:s11], [sflag:$0x2] =	stream.indirect.gather [hbm4b:s3+s9], $0x40, s30, s9, $0xb8;
	[tilespmem:$0xB400] =	vst v63  }
0x3d: {  	s30 =	sadd.s32 $0x100, s31  }
0x3e: {  	[tilespmem:s12], [sflag:$0x3] =	stream.indirect.gather [hbm4b:s3+s9], $0x40, s30, s9, $0xb8;
	[tilespmem:$0xB400] =	vst v63  }
0x3f: {  	s30 =	sadd.s32 $0x180, s31  }
0x40: {  	[tilespmem:s13], [sflag:$0x4] =	stream.indirect.gather [hbm4b:s3+s9], $0x40, s30, s9, $0xb8;
	[tilespmem:$0xB400] =	vst v63  }
0x41: {  	s31 =	sand.u32 $0x1F80, s25;
	s30 =	sand.u32 $0x3E00000, s26  }
0x42: {  	_ =	swait.ge [sflag:s14], $0x2000;
	s30 =	sor.u32 s31, s30  }
0x43: {  	s0 =	rddreg [dreg:$0x3];
	[sflag:s14] =	ssyncset.done $0x0;
	s30 =	sshrl.u32 s30, $0x3  }
0x44: {  	[sflag:s14] =	ssyncadd.s32 $0xFFFFE000;
	s0 =	sadd.s32 s0, s30  }
0x45: {  	[hbm4b:s0+s15] =	stream.strided.scatter [tilespmem:s10], [sflag:$0x5], $0x2000, s16, s15, $0x38;
	[tilespmem:$0xB400] =	vst v63  }
0x46: {  	_ =	swait.ge [sflag:s17], $0x2000  }
0x47: {  	s31 =	rddreg [dreg:$0x4];
	[sflag:s17] =	ssyncset.done $0x0  }
0x48: {  	[sflag:s17] =	ssyncadd.s32 $0xFFFFE000;
	s0 =	sadd.s32 s30, s31  }
0x49: {  	[hbm4b:s0+s15] =	stream.strided.scatter [tilespmem:s11], [sflag:$0x6], $0x2000, s16, s15, $0x38;
	[tilespmem:$0xB400] =	vst v63  }
0x4a: {  	_ =	swait.ge [sflag:s18], $0x2000  }
0x4b: {  	s31 =	rddreg [dreg:$0x5];
	[sflag:s18] =	ssyncset.done $0x0  }
0x4c: {  	[sflag:s18] =	ssyncadd.s32 $0xFFFFE000;
	s0 =	sadd.s32 s30, s31  }
0x4d: {  	[hbm4b:s0+s15] =	stream.strided.scatter [tilespmem:s12], [sflag:$0x7], $0x2000, s16, s15, $0x38;
	[tilespmem:$0xB400] =	vst v63  }
0x4e: {  	_ =	swait.ge [sflag:s19], $0x2000  }
0x4f: {  	s31 =	rddreg [dreg:$0x6];
	[sflag:s19] =	ssyncset.done $0x0  }
0x50: {  	[sflag:s19] =	ssyncadd.s32 $0xFFFFE000;
	s0 =	sadd.s32 s30, s31  }
0x51: {  	[hbm4b:s0+s15] =	stream.strided.scatter [tilespmem:s13], [sflag:$0x8], $0x2000, s16, s15, $0x38;
	[tilespmem:$0xB400] =	vst v63  }
0x52: {  	_ =	swait.ge [sflag:s20], $0x2000  }
0x53: {  	[sflag:s20] =	ssyncset.done $0x0  }
0x54: {  	[sflag:s20] =	ssyncadd.s32 $0xFFFFE000  }
0x55: {  	_ =	swait.ge [sflag:s21], $0x2000  }
0x56: {  	[sflag:s21] =	ssyncset.done $0x0  }
0x57: {  	[sflag:s21] =	ssyncadd.s32 $0xFFFFE000  }
.Ltmp0:
0x58: {  	_ =	swait.ge [sflag:s22], $0x2000;
	(pc) =	sbr.rel @p0 .LBB2_2-.Ltmp0, $4  }
0x59: {  	[sflag:s22] =	ssyncset.done $0x0  }
0x5a: {  	[sflag:s22] =	ssyncadd.s32 $0xFFFFE000  }
0x5b: {  	s25 =	sadd.s32 $0x4, s25;
	_ =	swait.ge [sflag:s23], $0x2000  }
0x5c: {  	s26 =	sadd.s32 $0x200000, s26;
	s30 =	smov.u32 s29;
	[sflag:s23] =	ssyncset.done $0x0  }
0x5d: {  	s0 =	sshra.s32 s28, $0x2;
	[sflag:s23] =	ssyncadd.s32 $0xFFFFE000  }
0x5e: {  	[tilespmem:s10], [sflag:$0x1] =	stream.indirect.gather [hbm4b:s3+s9], $0x40, s0, s9, $0xb8;
	[tilespmem:$0xB400] =	vst v63  }
0x5f: {  	s28 =	sadd.s32 $0x80, s0  }
0x60: {  	[tilespmem:s11], [sflag:$0x2] =	stream.indirect.gather [hbm4b:s3+s9], $0x40, s28, s9, $0xb8;
	[tilespmem:$0xB400] =	vst v63  }
0x61: {  	s29 =	sadd.s32 $0x100, s0  }
0x62: {  	[tilespmem:s12], [sflag:$0x3] =	stream.indirect.gather [hbm4b:s3+s9], $0x40, s29, s9, $0xb8;
	[tilespmem:$0xB400] =	vst v63  }
0x63: {  	s30 =	sand.u32 $0x3E00000, s26;
	s25 =	sand.u32 $0x1F80, s25;
	s0 =	sadd.s32 $0x180, s0  }
0x64: {  	[tilespmem:s13], [sflag:$0x4] =	stream.indirect.gather [hbm4b:s3+s9], $0x40, s0, s9, $0xb8;
	[tilespmem:$0xB400] =	vst v63  }
0x65: {  	s0 =	sor.u32 s25, s30;
	_ =	swait.ge [sflag:s14], $0x2000  }
0x66: {  	s0 =	sshrl.u32 s0, $0x3;
	s31 =	rddreg [dreg:$0x3];
	[sflag:s14] =	ssyncset.done $0x0  }
0x67: {  	[sflag:s14] =	ssyncadd.s32 $0xFFFFE000;
	s28 =	sadd.s32 s31, s0  }
0x68: {  	[hbm4b:s28+s15] =	stream.strided.scatter [tilespmem:s10], [sflag:$0x5], $0x2000, s16, s15, $0x38;
	[tilespmem:$0xB400] =	vst v63  }
0x69: {  	_ =	swait.ge [sflag:s17], $0x2000  }
0x6a: {  	s29 =	rddreg [dreg:$0x4];
	[sflag:s17] =	ssyncset.done $0x0  }
0x6b: {  	[sflag:s17] =	ssyncadd.s32 $0xFFFFE000;
	s25 =	sadd.s32 s0, s29  }
0x6c: {  	[hbm4b:s25+s15] =	stream.strided.scatter [tilespmem:s11], [sflag:$0x6], $0x2000, s16, s15, $0x38;
	[tilespmem:$0xB400] =	vst v63  }
0x6d: {  	_ =	swait.ge [sflag:s18], $0x2000  }
0x6e: {  	s30 =	rddreg [dreg:$0x5];
	[sflag:s18] =	ssyncset.done $0x0  }
0x6f: {  	[sflag:s18] =	ssyncadd.s32 $0xFFFFE000;
	s25 =	sadd.s32 s0, s30  }
0x70: {  	[hbm4b:s25+s15] =	stream.strided.scatter [tilespmem:s12], [sflag:$0x7], $0x2000, s16, s15, $0x38;
	[tilespmem:$0xB400] =	vst v63  }
0x71: {  	_ =	swait.ge [sflag:s19], $0x2000  }
0x72: {  	s31 =	rddreg [dreg:$0x6];
	[sflag:s19] =	ssyncset.done $0x0  }
0x73: {  	[sflag:s19] =	ssyncadd.s32 $0xFFFFE000;
	s0 =	sadd.s32 s0, s31  }
0x74: {  	[hbm4b:s0+s15] =	stream.strided.scatter [tilespmem:s13], [sflag:$0x8], $0x2000, s16, s15, $0x38;
	[tilespmem:$0xB400] =	vst v63  }
0x75: {  	_ =	swait.ge [sflag:s20], $0x2000  }
0x76: {  	[sflag:s20] =	ssyncset.done $0x0  }
0x77: {  	[sflag:s20] =	ssyncadd.s32 $0xFFFFE000  }
0x78: {  	_ =	swait.ge [sflag:s21], $0x2000  }
0x79: {  	[sflag:s21] =	ssyncset.done $0x0  }
0x7a: {  	s24 =	sadd.s32 $0x1, s24;
	[sflag:s21] =	ssyncadd.s32 $0xFFFFE000  }
0x7b: {  	p0 =	sne.s32 s24, s5;
	_ =	swait.ge [sflag:s22], $0x2000  }
.Ltmp1:
0x7c: {  	[sflag:s22] =	ssyncset.done $0x0;
	(pc) =	sbr.rel @p0 .LBB2_1-.Ltmp1, $4  }
0x7d: {  	[sflag:s22] =	ssyncadd.s32 $0xFFFFE000  }
0x7e: {  	_ =	swait.ge [sflag:s23], $0x2000  }
0x7f: {  	[sflag:s23] =	ssyncset.done $0x0  }
0x80: {  	[sflag:s23] =	ssyncadd.s32 $0xFFFFE000  }
0x81: {  	_ =	sfence.sel $0x180000  }
0x82: {  	[bflag:$0x0] =	sbarrier.arrive $0xFFFF  }
0x83: {  	_ =	strace $0x90000047  }
0x84: {  	[bflag:$0x2] =	sbarrier.arrive $0xFFFF  }
0x85: {  	p0 =	sne.s32 s1, $0x0;
	s0 =	rddreg [dreg:$0x2]  }
0x86: {  	s0 =	sadd.s32 @!p0 $0x100000, s0  }
0x87: {  	[sflag:s0] =	ssyncadd.tile.s32 @!p0 $0x1;
	_ =	shalt  }
.Lfunc_end2:
_tile_overlayer_lowered:
.L_overlay_start_2:
0x88: {  	(tag) =	ssettag $0x2  }
0x89: {  	s0 =	rddreg [dreg:$0x0];
	s2 =	stileid.u32  }
0x8a: {  	s1 =	rddreg [dreg:$0x1];
	p0 =	sne.s32 s2, $0x0  }
0x8b: {  	s3 =	rddreg [dreg:$0x2];
	[bflag:$0x3] =	sbarrier.arrive $0xFFFF;
	s2 =	simm.s32 @!p0 $0x1C09  }
0x8c: {  	[timem:s3], [sflag:s2] =	dma.local @!p0 [hbm:s0], s1  }
0x8d: {  	s0 =	simm.s32 @!p0 $0x9  }
0x8e: {  	_ =	swait.ge @!p0 [sflag:s0], s1  }
0x8f: {  	s1 =	ssub.s32 @!p0 $0x0, s1;
	[sflag:s0] =	ssyncset.done @!p0 $0x0  }
0x90: {  	[sflag:s0] =	ssyncadd.s32 @!p0 s1  }
0x91: {  	[bflag:$0x3] =	sbarrier.arrive $0xFFFF  }
0x92: {  	_ =	shalt  }

// kernel: sparse-core-data-format-call.cloned.1.call-start
scs
called_computation_lowered:
.L_overlay_start_0:
0x0: {  	s2 =	sld [smem:$0x3FD9]  }
0x1: {  	s3 =	sld [smem:$0x3FFE];
	_ =	sdelay $0x1  }
0x2: {  	s1 =	srdreg.scid  }
0x3: {  	s0 =	sand.u32 $0x1, s1  }
0x4: {  	s18 =	sshll.u32 s0, $0xA;
	s2 =	sadd.s32 s3, s2  }
0x5: {  	s2 =	sadd.s32 s2, s18  }
0x6: {  	[smem:$0x3FC6] =	sst s2  }
0x7: {  	_ = 	snop  }
0x8: {  	s2 =	sld [smem:$0x3FD0];
	(tm) =	ssettm $0x1  }
0x9: {  	s19 =	sld [smem:$0x3FFB];
	_ =	sdelay $0x3  }
0xa: {  	_ =	strace s19  }
0xb: {  	s3 =	sld [smem:$0x3FFC];
	_ =	sdelay $0x3  }
0xc: {  	_ =	strace s3  }
0xd: {  	s3 =	sld [smem:$0x3FFD];
	_ =	sdelay $0x3  }
0xe: {  	_ =	strace s3  }
0xf: {  	_ =	strace $0x8FFFFFFF  }
0x10: {  	s20 =	sld [smem:$0x3FDB];
	_ =	sdelay $0x1  }
0x11: {  	s4 =	simm.s32 $_scs_section_size  }
0x12: {  	s5 =	simm.s32 $_size__tile_overlayer_lowered;
	s6 =	simm.s32 $_tile_overlayer_lowered  }
0x13: {  	s23 =	simm.s32 $0x1BFF;
	s22 =	sshll.u32 s6, $0x1;
	s3 =	sadd.s32 s4, s20  }
0x14: {  	s7 =	simm.s32 $0x0;
	s21 =	sshll.u32 s5, $0x1;
	s5 =	sadd.s32 s22, s3  }
0x15: {  	[timem:s7], [sflag:s23] =	dma.local [hbm:s5], s21  }
0x16: {  	_ =	swait.ge [sflag:s23], s21  }
0x17: {  	s4 =	ssub.s32 $0x0, s21;
	[sflag:s23] =	ssyncset.done $0x0  }
0x18: {  	[sflag:s23] =	ssyncadd.s32 s4;
	_ =	sdelay $0x1  }
0x19: {  	s24 =	simm.s32 $0x1B8B  }
0x1a: {  	_ =	swait.ge [sflag:s24], $0x1  }
0x1b: {  	[sflag:s24] =	ssyncset.done $0x0  }
0x1c: {  	s26 =	simm.s32 $0x1B8E;
	s25 =	sld [smem:$0x3FFE];
	[sflag:s24] =	ssyncadd.s32 $0xFFFFFFFF  }
0x1d: {  	s27 =	simm.s32 $execute0_lowered;
	[smem:$0x3FD2] =	sst s26  }
0x1e: {  	s5 =	sshll.u32 s27, $0x1;
	_ =	strace $0x80000049;
	[dreg:$0x1] =	wrdreg $0xFFFFFFFF  }
0x1f: {  	s28 =	simm.s32 $_size_execute0_lowered;
	s3 =	sadd.s32 s3, s5;
	[dreg:$0x0] =	wrdreg $0x0  }
0x20: {  	s5 =	sshll.u32 s28, $0x1;
	[dreg:$0x2] =	wrdreg s3  }
0x21: {  	[dreg:$0x3] =	wrdreg s5  }
0x22: {  	[dreg:$0x4] =	wrdreg $0xC0  }
0x23: {  	_ =	task [dreg:s7], $0x5FFFF  }
0x24: {  	[dreg:$0x1] =	wrdreg $0xFFFFFFFF  }
0x25: {  	[dreg:$0x0] =	wrdreg $0x60  }
0x26: {  	[dreg:$0x2] =	wrdreg s25  }
0x27: {  	[dreg:$0x3] =	wrdreg s2  }
0x28: {  	[dreg:$0x4] =	wrdreg $0x9  }
0x29: {  	_ =	task.clear_ibuf [dreg:s7], $0x5FFFF;
	_ =	strace $0x90000049  }
0x2a: {  	s29 =	simm.s32 $0x9;
	_ =	strace $0x8000004B  }
0x2b: {  	_ =	swait.ge [sflag:s29], $0x1  }
0x2c: {  	[sflag:s29] =	ssyncadd.s32 $0xFFFFFFFF  }
0x2d: {  	_ =	strace $0x9000004B  }
0x2e: {  	_ =	sfence  }
0x2f: {  	s30 =	sld [smem:$0x0];
	_ =	sdelay $0x2  }
0x30: {  	s31 =	sshll.u32 s1, $0xD;
	s1 =	sshrl.u32 s1, $0x2  }
0x31: {  	s3 =	sand.u32 $0x4000, s31;
	s1 =	sadd.s32 s1, s30  }
0x32: {  	s0 =	sor.u32 s3, s0;
	s1 =	sshll.u32 s1, $0x11  }
0x33: {  	s0 =	sor.u32 s1, s0  }
0x34: {  	s0 =	sadd.s32 $0x8F2B, s0  }
0x35: {  	[sflag:s0] =	ssyncadd.remote.s32 $0x1  }
0x36: {  	_ =	sfence.sel $0xFFFF  }
0x37: {  	[dreg:$0x0] =	wrdreg $0xFFFFFFFF;
	(pc) =	sbr.abs _section_cstart, $3  }
0x38: {  	[dreg:$0x1] =	wrdreg $0xFFFFFFFF  }
0x39: {  	_ =	task.clear_ibuf [dreg:s7], $0x2FFFF;
	_ =	strace $0x9FFFFFFF  }
0x3a: {  	(tm) =	ssettm $0x7FFFFFFF  }
0x3b: {  	_ =	shalt  }
tec
execute0_lowered:
.L_overlay_start_1:
0x0: {  	(tag) =	ssettag $0x1  }
0x1: {  	s0 =	srdreg.scid  }
0x2: {  	s1 =	sshll.u32 s0, $0x4  }
0x3: {  	s0 =	stileid.u32;
	s1 =	sand.u32 $0x10, s1  }
0x4: {  	s1 =	sor.u32 s0, s1  }
0x5: {  	s6 =	rddreg [dreg:$0x0];
	s4 =	simm.s32 $0x1;
	s2 =	sshll.u32 s1, $0x7  }
0x6: {  	s7 =	simm.s32 $0x2;
	s12 =	simm.s32 $0x0;
	s1 =	ssub.s32 $0x4000, s2  }
0x7: {  	s8 =	simm.s32 $0x20000;
	s13 =	simm.s32 $0x0;
	s3 =	sand.u32 $0xF80, s1  }
0x8: {  	s9 =	simm.s32 $0x0;
	s5 =	sshrl.u32 s1, $0xC;
	p0 =	sne.s32 s3, $0x0  }
.Ltmp0:
0x9: {  	s1 =	rddreg [dreg:$0x2];
	s4 =	simm.s32 @!p0 $0x0;
	(pc) =	sbr.rel .LBB1_1-.Ltmp0, $4  }
0xa: {  	s11 =	simm.s32 $0x0;
	s3 =	rddreg [dreg:$0x1];
	s5 =	sadd.s32 s4, s5  }
0xb: {  	_ =	strace $0x8000004A;
	s4 =	simm.s32 $0x1;
	s5 =	smul.u32 $0x1A, s5  }
0xc: {  	s6 =	sadd.s32 $0xA00, s6;
	s10 =	smov.u32 s2;
	[sflag:s4] =	ssyncpa.u1 $0x0  }
0xd: {  	p0 =	por $0x0, $0x0;
	[sflag:s7] =	ssyncpa.u1 $0x0;
	s7 =	sor.u32 $0x1, s5  }
.LBB1_4:
0xe: {  	s16 =	sshll.u32 s13, $0x3;
	s17 =	sand.u32 $0x78, s13  }
0xf: {  	s30 =	sand.u32 $0x1F800, s13;
	s12 =	sshll.u32 s12, $0x11;
	s16 =	sand.u32 $0x3C00, s16  }
0x10: {  	[tilespmem:s15+$0x810 ss:$0x81] =	vst.msk $0xffff, v2;
	s31 =	sand.u32 $0x7, s13;
	s16 =	sor.u32 s17, s16;
	s17 =	sadd.s32 s3, s30  }
0x11: {  	[tilespmem:s15+$0x1020 ss:$0x81] =	vst.msk $0xffff, v0;
	s13 =	sshll.u32 s31, $0x12;
	s12 =	sadd.s32 s12, s17;
	s16 =	sshrl.u32 s16, $0x3  }
0x12: {  	[tilespmem:s15+$0x0 ss:$0x81] =	vst.msk $0xffff, v1;
	s13 =	sor.u32 $0x400, s13;
	s12 =	sadd.s32 s16, s12  }
0x13: {  	[hbm4b:s12+s13] =	stream.strided.scatter [tilespmem:s14], [sflag:$0x2], $0x2000, s8, s13, $0x20;
	[tilespmem:$0x8080] =	vst v63  }
.LBB1_5:
0x14: {  	s14 =	sadd.s32 $0x1, s9  }
0x15: {  	s12 =	sadd.s32 $0x1000, s10;
	s16 =	smov.u32 s10;
	p2 =	sgt.s32 s14, $0x19  }
0x16: {  	s16 =	smov.u32 @p2 s12  }
0x17: {  	s14 =	simm.s32 @p2 $0x0;
	p2 =	sgt.s32 s16, $0x3FFF  }
0x18: {  	s16 =	smov.u32 @p2 s2;
	p2 =	sne.s32 s11, s7  }
.Ltmp1:
0x19: {  	p1 =	slt.u32 s11, $0x2;
	(pc) =	sbr.rel @!p2 .LBB1_6-.Ltmp1, $4  }
0x1a: {  	s15 =	simm.s32 @!p1 $0x2  }
0x1b: {  	s13 =	smov.u32 s10;
	p0 =	por !p0, !p0;
	_ =	swait.ge @!p1 [sflag:s15], $0x2000  }
0x1c: {  	s12 =	smov.u32 s9;
	[sflag:s15] =	ssyncset.done @!p1 $0x0;
	s9 =	smov.u32 s14  }
0x1d: {  	s11 =	sadd.s32 $0x1, s11;
	[sflag:s15] =	ssyncadd.s32 @!p1 $0xFFFFE000;
	s10 =	smov.u32 s16  }
.LBB1_1:
0x1e: {  	p1 =	sge.u32 s11, s5  }
0x1f: {  	s31 =	sadd.s32 $0xFFFFFFFF, s11;
	s14 =	sxor.u32 @!p1 $0xFFFFFFFF, s11  }
0x20: {  	s15 =	sshll.u32 @!p1 s10, $0x9;
	s16 =	sshll.u32 @!p1 s9, $0x4;
	s17 =	simm.s32 @!p1 $0x1000  }
0x21: {  	s14 =	sshll.u32 @!p1 s14, $0xD;
	s16 =	sand.u32 @!p1 $0x1F0, s16;
	s15 =	sadd.s32 @!p1 s6, s15  }
0x22: {  	s14 =	sand.u32 @!p1 $0x2000, s14;
	s15 =	sadd.s32 @!p1 s16, s15;
	s16 =	simm.s32 @!p1 $0x40  }
0x23: {  	[tilespmem:s14], [sflag:$0x1] =	stream.strided.gather @!p1 [hbm4b:s15+s16], $0x2000, s17, s16, $0x38;
	[tilespmem:$0x8080] =	vst v63  }
0x24: {  	p1 =	sge.u32 s31, s5  }
.Ltmp2:
0x25: {  	_ = 	snop;
	(pc) =	sbr.rel @p1 .LBB1_5-.Ltmp2, $1  }
0x26: {  	_ =	sdelay $0x3  }
0x27: {  	s14 =	simm.s32 $0x1  }
0x28: {  	_ =	swait.ge [sflag:s4], $0x2000;
	s14 =	simm.s32 @!p0 $0x0  }
0x29: {  	[sflag:s4] =	ssyncset.done $0x0;
	s15 =	sshll.u32 s14, $0xD  }
0x2a: {  	[sflag:s4] =	ssyncadd.s32 $0xFFFFE000;
	s18 =	sor.u32 $0x20, s15  }
0x2b: {  	s14 =	smul.u32 $0x8100, s14;
	v3 =	vld [tilespmem:s18+$0x10]  }
0x2c: {  	s30 =	sand.u32 $0x1, s11;
	v2 =	vld [tilespmem:s18+$0xFFFFFFF0]  }
0x2d: {  	s15 =	smul.u32 $0x8100, s30;
	s14 =	sshrl.u32 s14, $0x2;
	v0 =	vld [tilespmem:s18+$0x0]  }
0x2e: {  	v1 =	vld [tilespmem:s18+$0xFFFFFFE0];
	s16 =	sor.u32 $0x4000, s14  }
0x2f: {  	s31 =	sshrl.u32 s15, $0x2;
	s15 =	sadd.s32 $0x0, s16  }
0x30: {  	s17 =	simm.s32 $0x4;
	s18 =	sadd.s32 $0x40, s18;
	s14 =	sor.u32 $0x4000, s31;
	[tilespmem:s15+$0x1830 ss:$0x81] =	vst.msk $0xffff, v3  }
.LBB1_3:
0x31: {  	v3 =	vld [tilespmem:s18+$0x10];
	p1 =	sne.s32 s17, $0x1FC;
	[tilespmem:s15+$0x810 ss:$0x81] =	vst.msk $0xffff, v2;
	s19 =	smov.u32 s17;
	s17 =	sadd.s32 $0x4, s17  }
.Ltmp3:
0x32: {  	v2 =	vld [tilespmem:s18+$0xFFFFFFF0];
	[tilespmem:s15+$0x1020 ss:$0x81] =	vst.msk $0xffff, v0;
	(pc) =	sbr.rel @p1 .LBB1_3-.Ltmp3, $4  }
0x33: {  	v0 =	vld [tilespmem:s18+$0x0];
	[tilespmem:s15+$0x0 ss:$0x81] =	vst.msk $0xffff, v1  }
0x34: {  	s15 =	sshra.s32 s19, $0x2;
	v1 =	vld [tilespmem:s18+$0xFFFFFFE0]  }
0x35: {  	s15 =	sadd.s32 s15, s16  }
0x36: {  	s18 =	sadd.s32 $0x40, s18;
	[tilespmem:s15+$0x1830 ss:$0x81] =	vst.msk $0xffff, v3  }
.Ltmp4:
0x37: {  	_ = 	snop;
	(pc) =	sbr.rel .LBB1_4-.Ltmp4, $1  }
0x38: {  	_ =	sdelay $0x3  }
.LBB1_6:
0x39: {  	_ =	sfence.sel $0x180000  }
0x3a: {  	s2 =	simm.s32 $0x1;
	[bflag:$0x0] =	sbarrier.arrive $0xFFFF  }
0x3b: {  	s31 =	simm.s32 $0x2;
	[sflag:s2] =	ssyncpa.u1 $0x1  }
0x3c: {  	[sflag:s31] =	ssyncpa.u1 $0x1  }
0x3d: {  	p0 =	sne.s32 s0, $0x0;
	_ =	strace $0x9000004A  }
0x3e: {  	s0 =	sadd.s32 @!p0 $0x100000, s1;
	[bflag:$0x2] =	sbarrier.arrive $0xFFFF  }
0x3f: {  	[sflag:s0] =	ssyncadd.tile.s32 @!p0 $0x1;
	_ =	shalt  }
.Lfunc_end1:
_tile_overlayer_lowered:
.L_overlay_start_2:
0x40: {  	(tag) =	ssettag $0x2  }
0x41: {  	s0 =	rddreg [dreg:$0x0];
	s2 =	stileid.u32  }
0x42: {  	s1 =	rddreg [dreg:$0x1];
	p0 =	sne.s32 s2, $0x0  }
0x43: {  	s3 =	rddreg [dreg:$0x2];
	[bflag:$0x3] =	sbarrier.arrive $0xFFFF;
	s2 =	simm.s32 @!p0 $0x1C01  }
0x44: {  	[timem:s3], [sflag:s2] =	dma.local @!p0 [hbm:s0], s1  }
0x45: {  	s0 =	simm.s32 @!p0 $0x1  }
0x46: {  	_ =	swait.ge @!p0 [sflag:s0], s1  }
0x47: {  	s1 =	ssub.s32 @!p0 $0x0, s1;
	[sflag:s0] =	ssyncset.done @!p0 $0x0  }
0x48: {  	[sflag:s0] =	ssyncadd.s32 @!p0 s1  }
0x49: {  	[bflag:$0x3] =	sbarrier.arrive $0xFFFF  }
0x4a: {  	_ =	shalt  }

</sc_bundles>
